<compile_context>
chip_gen: v7x
topology: tpu7x:2x2x1
jax: 0.10.2.dev20260603
libtpu: 0.0.44.dev20260713+nightly
codegen_flags: <defaults>
</compile_context>

<pallas_src>
import functools

import jax
import jax.numpy as jnp
from jax import lax
from jax.experimental import pallas as pl
from jax.experimental.pallas import tpu as pltpu
from jax.experimental.pallas import tpu_sc as plsc

BATCH = 4096
FIELDS = 26
EMBED_DIM = 64
VOCAB = 1000000
NB = BATCH * FIELDS
NC = 2
NS = 16
NW = NC * NS
BPW = NB // NW
CHUNK = 832
NCHUNK = BPW // CHUNK
NBUF = 2

_mesh = plsc.VectorSubcoreMesh(core_axis_name="c", subcore_axis_name="s")


@functools.partial(
    pl.kernel,
    mesh=_mesh,
    out_type=jax.ShapeDtypeStruct((NB, EMBED_DIM), jnp.float32),
    scratch_types=[
        pltpu.VMEM((NCHUNK, CHUNK), jnp.int32),
        pltpu.VMEM((NBUF, CHUNK, EMBED_DIM), jnp.float32),
        pltpu.SemaphoreType.DMA,
        pltpu.SemaphoreType.DMA,
    ],
    compiler_params=pltpu.CompilerParams(use_tc_tiling_on_sc=False),
)
def _embed_gather(idx_hbm, table_hbm, out_hbm, idx_v, rows_v, gsem, ssem):
    wid = lax.axis_index("s") * NC + lax.axis_index("c")
    base = wid * BPW
    pltpu.sync_copy(idx_hbm.at[wid], idx_v)

    gathers = [None] * NCHUNK
    scatters = [None] * NCHUNK
    for g in range(min(NBUF - 1, NCHUNK)):
        gathers[g] = pltpu.async_copy(
            table_hbm.at[idx_v.at[g]], rows_v.at[g % NBUF], gsem)
    for g in range(NCHUNK):
        gathers[g].wait()
        scatters[g] = pltpu.async_copy(
            rows_v.at[g % NBUF],
            out_hbm.at[pl.ds(base + g * CHUNK, CHUNK)],
            ssem)
        nxt = g + NBUF - 1
        if nxt < NCHUNK:
            prev = nxt - NBUF
            if prev >= 0:
                scatters[prev].wait()
            gathers[nxt] = pltpu.async_copy(
                table_hbm.at[idx_v.at[nxt]], rows_v.at[nxt % NBUF], gsem)
    for g in range(max(0, NCHUNK - NBUF), NCHUNK):
        scatters[g].wait()


def kernel(feat_ids, table):
    idx = feat_ids.astype(jnp.int32).reshape(NW, NCHUNK, CHUNK)
    out = _embed_gather(idx, table)
    return out.reshape(BATCH, FIELDS, EMBED_DIM)

# --- scband reference (transcript-rebuilt; emitter-appended) ---
"""Pipeline reference for scband-feature-embedding-88785563943276 (READ-ONLY COPY).

The authoritative reference and input builder live on the scoring server;
editing this copy changes nothing except your own understanding.
"""

import jax, jax.numpy as jnp
import numpy as np

VOCAB = 1000000
EMBED_DIM = 64
BATCH = 4096
FIELDS = 26

def setup_inputs(seed: int = 0) -> dict:
    key = jax.random.key(seed)
    k1, k2 = jax.random.split(key)
    feat_ids = jax.random.randint(k1, (BATCH, FIELDS), 0, VOCAB, dtype=jnp.int64 if jax.config.jax_enable_x64 else jnp.int32)
    # glorot_uniform init for embedding table [VOCAB, EMBED_DIM]
    limit = np.sqrt(6.0 / (VOCAB + EMBED_DIM))
    table = jax.random.uniform(k2, (VOCAB, EMBED_DIM), dtype=jnp.float32, minval=-limit, maxval=limit)
    return {"feat_ids": feat_ids, "table": table}

def reference(feat_ids, table):
    # FeatureEmbedding.call: embeddings = self.embedding(feat_ids)
    # Embedding lookup: gather rows of table by feat_ids -> [B, F, D]
    embeddings = jnp.take(table, feat_ids, axis=0)
    return embeddings

if __name__ == "__main__":
    import jax
    _d = setup_inputs()
    print(jax.jit(kernel)(*tuple(_d.values())))

</pallas_src>

<mosaic_0001>
#map = affine_map<(d0, d1) -> (0, 0, 0)>
#map1 = affine_map<(d0, d1) -> (0, 0)>
module attributes {stable_mosaic.version = 14 : i64} {
  func.func @_embed_gather(%arg0: i32, %arg1: i32, %arg2: memref<32x4x832xi32, #tpu.memory_space<hbm>>, %arg3: memref<1000000x64xf32, #tpu.memory_space<hbm>>, %arg4: memref<106496x64xf32, #tpu.memory_space<hbm>>, %arg5: memref<4x832xi32, #tpu.memory_space<vmem>>, %arg6: memref<2x832x64xf32, #tpu.memory_space<vmem>>, %arg7: memref<!tpu.dma_semaphore, #tpu.memory_space<semaphore_mem>>, %arg8: memref<!tpu.dma_semaphore, #tpu.memory_space<semaphore_mem>>) attributes {dimension_semantics = [#tpu.dimension_semantics<core_parallel>, #tpu.dimension_semantics<subcore_parallel>], iteration_bounds = array<i64: 2, 16>, scalar_prefetch = 0 : i64, scratch_operands = 4 : i64, tpu.core_type = #tpu.core_type<sc_vector_subcore>, window_params = [{transform_indices = #map}, {transform_indices = #map1}, {transform_indices = #map1}]} {
    %mul3A = arith.constant 2 : i32
    %mul3A_0 = arith.muli %arg1, %mul3A : i32
    %add3A = arith.addi %mul3A_0, %arg0 : i32
    %mul3A_1 = arith.constant 3328 : i32
    %mul3A_2 = arith.muli %add3A, %mul3A_1 : i32
    "tpu.region"() ({
      %run_scoped3A = tpu.sem_alloc : memref<!tpu.dma_semaphore, #tpu.memory_space<semaphore_mem>>
      %dma_start3A_209 = arith.constant 0 : i32
      %dma_start3A_210 = arith.constant 0 : i32
      %dma_start3A_211 = tpu.memref_slice %arg2[%add3A, %dma_start3A_209, %dma_start3A_210] : memref<32x4x832xi32, #tpu.memory_space<hbm>> -> memref<1x4x832xi32, #tpu.memory_space<hbm>>
      %dma_start3A_212 = tpu.memref_squeeze %dma_start3A_211 : memref<1x4x832xi32, #tpu.memory_space<hbm>> -> memref<4x832xi32, #tpu.memory_space<hbm>>
      %dma_start3A_213 = arith.constant 0 : i32
      %dma_start3A_214 = arith.constant 0 : i32
      %dma_start3A_215 = tpu.memref_slice %arg2[%add3A, %dma_start3A_213, %dma_start3A_214] : memref<32x4x832xi32, #tpu.memory_space<hbm>> -> memref<1x4x832xi32, #tpu.memory_space<hbm>>
      %dma_start3A_216 = tpu.memref_squeeze %dma_start3A_215 : memref<1x4x832xi32, #tpu.memory_space<hbm>> -> memref<4x832xi32, #tpu.memory_space<hbm>>
      tpu.enqueue_dma source(%dma_start3A_216 : memref<4x832xi32, #tpu.memory_space<hbm>>) target(%arg5 : memref<4x832xi32, #tpu.memory_space<vmem>>) target_semaphore(%run_scoped3A : memref<!tpu.dma_semaphore, #tpu.memory_space<semaphore_mem>>)
      %dma_wait3A_217 = arith.constant 0 : i32
      %dma_wait3A_218 = arith.constant 0 : i32
      %dma_wait3A_219 = tpu.memref_slice %arg2[%add3A, %dma_wait3A_217, %dma_wait3A_218] : memref<32x4x832xi32, #tpu.memory_space<hbm>> -> memref<1x4x832xi32, #tpu.memory_space<hbm>>
      %dma_wait3A_220 = tpu.memref_squeeze %dma_wait3A_219 : memref<1x4x832xi32, #tpu.memory_space<hbm>> -> memref<4x832xi32, #tpu.memory_space<hbm>>
      %dma_wait3A_221 = arith.constant 0 : i32
      %dma_wait3A_222 = arith.constant 0 : i32
      %dma_wait3A_223 = tpu.memref_slice %arg2[%add3A, %dma_wait3A_221, %dma_wait3A_222] : memref<32x4x832xi32, #tpu.memory_space<hbm>> -> memref<1x4x832xi32, #tpu.memory_space<hbm>>
      %dma_wait3A_224 = tpu.memref_squeeze %dma_wait3A_223 : memref<1x4x832xi32, #tpu.memory_space<hbm>> -> memref<4x832xi32, #tpu.memory_space<hbm>>
      tpu.wait_dma2 semaphore(%run_scoped3A : memref<!tpu.dma_semaphore, #tpu.memory_space<semaphore_mem>>) src(%dma_wait3A_224 : memref<4x832xi32, #tpu.memory_space<hbm>>) dst(%arg5 : memref<4x832xi32, #tpu.memory_space<vmem>>)
      tpu.yield
    }) : () -> ()
    %dma_start3A = arith.constant 0 : i32
    %dma_start3A_3 = arith.constant 0 : i32
    %dma_start3A_4 = arith.constant 0 : i32
    %dma_start3A_5 = arith.constant 0 : i32
    %dma_start3A_6 = tpu.memref_slice %arg6[%dma_start3A_3, %dma_start3A_4, %dma_start3A_5] : memref<2x832x64xf32, #tpu.memory_space<vmem>> -> memref<1x832x64xf32, #tpu.memory_space<vmem>>
    %dma_start3A_7 = tpu.memref_squeeze %dma_start3A_6 : memref<1x832x64xf32, #tpu.memory_space<vmem>> -> memref<832x64xf32, #tpu.memory_space<vmem>>
    %dma_start3A_8 = arith.constant 0 : i32
    %dma_start3A_9 = tpu.memref_slice %arg5[%dma_start3A, %dma_start3A_8] : memref<4x832xi32, #tpu.memory_space<vmem>> -> memref<1x832xi32, #tpu.memory_space<vmem>>
    %dma_start3A_10 = tpu.memref_squeeze %dma_start3A_9 : memref<1x832xi32, #tpu.memory_space<vmem>> -> memref<832xi32, #tpu.memory_space<vmem>>
    %dma_start3A_11 = arith.constant 0 : i32
    %dma_start3A_12 = arith.constant 0 : i32
    %dma_start3A_13 = tpu.memref_slice %arg3[%dma_start3A_11, %dma_start3A_12] : memref<1000000x64xf32, #tpu.memory_space<hbm>> -> memref<1000000x64xf32, #tpu.memory_space<hbm>>
    tpu.enqueue_indirect_dma source(%dma_start3A_13 : memref<1000000x64xf32, #tpu.memory_space<hbm>>) target(%dma_start3A_7 : memref<832x64xf32, #tpu.memory_space<vmem>>) offsets(%dma_start3A_10 : memref<832xi32, #tpu.memory_space<vmem>>) semaphore(%arg7 : memref<!tpu.dma_semaphore, #tpu.memory_space<semaphore_mem>>)
    %dma_wait3A = arith.constant 0 : i32
    %dma_wait3A_14 = arith.constant 0 : i32
    %dma_wait3A_15 = arith.constant 0 : i32
    %dma_wait3A_16 = arith.constant 0 : i32
    %dma_wait3A_17 = tpu.memref_slice %arg6[%dma_wait3A_14, %dma_wait3A_15, %dma_wait3A_16] : memref<2x832x64xf32, #tpu.memory_space<vmem>> -> memref<1x832x64xf32, #tpu.memory_space<vmem>>
    %dma_wait3A_18 = tpu.memref_squeeze %dma_wait3A_17 : memref<1x832x64xf32, #tpu.memory_space<vmem>> -> memref<832x64xf32, #tpu.memory_space<vmem>>
    %dma_wait3A_19 = arith.constant 0 : i32
    %dma_wait3A_20 = tpu.memref_slice %arg5[%dma_wait3A, %dma_wait3A_19] : memref<4x832xi32, #tpu.memory_space<vmem>> -> memref<1x832xi32, #tpu.memory_space<vmem>>
    %dma_wait3A_21 = tpu.memref_squeeze %dma_wait3A_20 : memref<1x832xi32, #tpu.memory_space<vmem>> -> memref<832xi32, #tpu.memory_space<vmem>>
    %dma_wait3A_22 = arith.constant 0 : i32
    %dma_wait3A_23 = arith.constant 0 : i32
    %dma_wait3A_24 = tpu.memref_slice %arg3[%dma_wait3A_22, %dma_wait3A_23] : memref<1000000x64xf32, #tpu.memory_space<hbm>> -> memref<1000000x64xf32, #tpu.memory_space<hbm>>
    tpu.wait_indirect_dma semaphore(%arg7 : memref<!tpu.dma_semaphore, #tpu.memory_space<semaphore_mem>>) src(%dma_wait3A_24 : memref<1000000x64xf32, #tpu.memory_space<hbm>>) dst(%dma_wait3A_18 : memref<832x64xf32, #tpu.memory_space<vmem>>)
    %add3A_25 = arith.constant 0 : i32
    %add3A_26 = arith.addi %mul3A_2, %add3A_25 : i32
    %dma_start3A_27 = arith.constant 0 : i32
    %dma_start3A_28 = arith.constant 0 : i32
    %dma_start3A_29 = arith.constant 0 : i32
    %dma_start3A_30 = tpu.memref_slice %arg6[%dma_start3A_27, %dma_start3A_28, %dma_start3A_29] : memref<2x832x64xf32, #tpu.memory_space<vmem>> -> memref<1x832x64xf32, #tpu.memory_space<vmem>>
    %dma_start3A_31 = tpu.memref_squeeze %dma_start3A_30 : memref<1x832x64xf32, #tpu.memory_space<vmem>> -> memref<832x64xf32, #tpu.memory_space<vmem>>
    %dma_start3A_32 = arith.constant 0 : i32
    %dma_start3A_33 = tpu.memref_slice %arg4[%add3A_26, %dma_start3A_32] : memref<106496x64xf32, #tpu.memory_space<hbm>> -> memref<832x64xf32, #tpu.memory_space<hbm>>
    %dma_start3A_34 = arith.constant 0 : i32
    %dma_start3A_35 = tpu.memref_slice %arg4[%add3A_26, %dma_start3A_34] : memref<106496x64xf32, #tpu.memory_space<hbm>> -> memref<832x64xf32, #tpu.memory_space<hbm>>
    %dma_start3A_36 = arith.constant 0 : i32
    %dma_start3A_37 = arith.constant 0 : i32
    %dma_start3A_38 = tpu.memref_slice %arg6[%dma_start3A_27, %dma_start3A_36, %dma_start3A_37] : memref<2x832x64xf32, #tpu.memory_space<vmem>> -> memref<1x832x64xf32, #tpu.memory_space<vmem>>
    %dma_start3A_39 = tpu.memref_squeeze %dma_start3A_38 : memref<1x832x64xf32, #tpu.memory_space<vmem>> -> memref<832x64xf32, #tpu.memory_space<vmem>>
    tpu.enqueue_dma source(%dma_start3A_39 : memref<832x64xf32, #tpu.memory_space<vmem>>) target(%dma_start3A_35 : memref<832x64xf32, #tpu.memory_space<hbm>>) target_semaphore(%arg8 : memref<!tpu.dma_semaphore, #tpu.memory_space<semaphore_mem>>)
    %dma_start3A_40 = arith.constant 1 : i32
    %dma_start3A_41 = arith.constant 1 : i32
    %dma_start3A_42 = arith.constant 0 : i32
    %dma_start3A_43 = arith.constant 0 : i32
    %dma_start3A_44 = tpu.memref_slice %arg6[%dma_start3A_41, %dma_start3A_42, %dma_start3A_43] : memref<2x832x64xf32, #tpu.memory_space<vmem>> -> memref<1x832x64xf32, #tpu.memory_space<vmem>>
    %dma_start3A_45 = tpu.memref_squeeze %dma_start3A_44 : memref<1x832x64xf32, #tpu.memory_space<vmem>> -> memref<832x64xf32, #tpu.memory_space<vmem>>
    %dma_start3A_46 = arith.constant 0 : i32
    %dma_start3A_47 = tpu.memref_slice %arg5[%dma_start3A_40, %dma_start3A_46] : memref<4x832xi32, #tpu.memory_space<vmem>> -> memref<1x832xi32, #tpu.memory_space<vmem>>
    %dma_start3A_48 = tpu.memref_squeeze %dma_start3A_47 : memref<1x832xi32, #tpu.memory_space<vmem>> -> memref<832xi32, #tpu.memory_space<vmem>>
    %dma_start3A_49 = arith.constant 0 : i32
    %dma_start3A_50 = arith.constant 0 : i32
    %dma_start3A_51 = tpu.memref_slice %arg3[%dma_start3A_49, %dma_start3A_50] : memref<1000000x64xf32, #tpu.memory_space<hbm>> -> memref<1000000x64xf32, #tpu.memory_space<hbm>>
    tpu.enqueue_indirect_dma source(%dma_start3A_51 : memref<1000000x64xf32, #tpu.memory_space<hbm>>) target(%dma_start3A_45 : memref<832x64xf32, #tpu.memory_space<vmem>>) offsets(%dma_start3A_48 : memref<832xi32, #tpu.memory_space<vmem>>) semaphore(%arg7 : memref<!tpu.dma_semaphore, #tpu.memory_space<semaphore_mem>>)
    %dma_wait3A_52 = arith.constant 1 : i32
    %dma_wait3A_53 = arith.constant 1 : i32
    %dma_wait3A_54 = arith.constant 0 : i32
    %dma_wait3A_55 = arith.constant 0 : i32
    %dma_wait3A_56 = tpu.memref_slice %arg6[%dma_wait3A_53, %dma_wait3A_54, %dma_wait3A_55] : memref<2x832x64xf32, #tpu.memory_space<vmem>> -> memref<1x832x64xf32, #tpu.memory_space<vmem>>
    %dma_wait3A_57 = tpu.memref_squeeze %dma_wait3A_56 : memref<1x832x64xf32, #tpu.memory_space<vmem>> -> memref<832x64xf32, #tpu.memory_space<vmem>>
    %dma_wait3A_58 = arith.constant 0 : i32
    %dma_wait3A_59 = tpu.memref_slice %arg5[%dma_wait3A_52, %dma_wait3A_58] : memref<4x832xi32, #tpu.memory_space<vmem>> -> memref<1x832xi32, #tpu.memory_space<vmem>>
    %dma_wait3A_60 = tpu.memref_squeeze %dma_wait3A_59 : memref<1x832xi32, #tpu.memory_space<vmem>> -> memref<832xi32, #tpu.memory_space<vmem>>
    %dma_wait3A_61 = arith.constant 0 : i32
    %dma_wait3A_62 = arith.constant 0 : i32
    %dma_wait3A_63 = tpu.memref_slice %arg3[%dma_wait3A_61, %dma_wait3A_62] : memref<1000000x64xf32, #tpu.memory_space<hbm>> -> memref<1000000x64xf32, #tpu.memory_space<hbm>>
    tpu.wait_indirect_dma semaphore(%arg7 : memref<!tpu.dma_semaphore, #tpu.memory_space<semaphore_mem>>) src(%dma_wait3A_63 : memref<1000000x64xf32, #tpu.memory_space<hbm>>) dst(%dma_wait3A_57 : memref<832x64xf32, #tpu.memory_space<vmem>>)
    %add3A_64 = arith.constant 832 : i32
    %add3A_65 = arith.addi %mul3A_2, %add3A_64 : i32
    %dma_start3A_66 = arith.constant 1 : i32
    %dma_start3A_67 = arith.constant 0 : i32
    %dma_start3A_68 = arith.constant 0 : i32
    %dma_start3A_69 = tpu.memref_slice %arg6[%dma_start3A_66, %dma_start3A_67, %dma_start3A_68] : memref<2x832x64xf32, #tpu.memory_space<vmem>> -> memref<1x832x64xf32, #tpu.memory_space<vmem>>
    %dma_start3A_70 = tpu.memref_squeeze %dma_start3A_69 : memref<1x832x64xf32, #tpu.memory_space<vmem>> -> memref<832x64xf32, #tpu.memory_space<vmem>>
    %dma_start3A_71 = arith.constant 0 : i32
    %dma_start3A_72 = tpu.memref_slice %arg4[%add3A_65, %dma_start3A_71] : memref<106496x64xf32, #tpu.memory_space<hbm>> -> memref<832x64xf32, #tpu.memory_space<hbm>>
    %dma_start3A_73 = arith.constant 0 : i32
    %dma_start3A_74 = tpu.memref_slice %arg4[%add3A_65, %dma_start3A_73] : memref<106496x64xf32, #tpu.memory_space<hbm>> -> memref<832x64xf32, #tpu.memory_space<hbm>>
    %dma_start3A_75 = arith.constant 0 : i32
    %dma_start3A_76 = arith.constant 0 : i32
    %dma_start3A_77 = tpu.memref_slice %arg6[%dma_start3A_66, %dma_start3A_75, %dma_start3A_76] : memref<2x832x64xf32, #tpu.memory_space<vmem>> -> memref<1x832x64xf32, #tpu.memory_space<vmem>>
    %dma_start3A_78 = tpu.memref_squeeze %dma_start3A_77 : memref<1x832x64xf32, #tpu.memory_space<vmem>> -> memref<832x64xf32, #tpu.memory_space<vmem>>
    tpu.enqueue_dma source(%dma_start3A_78 : memref<832x64xf32, #tpu.memory_space<vmem>>) target(%dma_start3A_74 : memref<832x64xf32, #tpu.memory_space<hbm>>) target_semaphore(%arg8 : memref<!tpu.dma_semaphore, #tpu.memory_space<semaphore_mem>>)
    %dma_wait3A_79 = arith.constant 0 : i32
    %dma_wait3A_80 = arith.constant 0 : i32
    %dma_wait3A_81 = arith.constant 0 : i32
    %dma_wait3A_82 = tpu.memref_slice %arg6[%dma_wait3A_79, %dma_wait3A_80, %dma_wait3A_81] : memref<2x832x64xf32, #tpu.memory_space<vmem>> -> memref<1x832x64xf32, #tpu.memory_space<vmem>>
    %dma_wait3A_83 = tpu.memref_squeeze %dma_wait3A_82 : memref<1x832x64xf32, #tpu.memory_space<vmem>> -> memref<832x64xf32, #tpu.memory_space<vmem>>
    %dma_wait3A_84 = arith.constant 0 : i32
    %dma_wait3A_85 = tpu.memref_slice %arg4[%add3A_26, %dma_wait3A_84] : memref<106496x64xf32, #tpu.memory_space<hbm>> -> memref<832x64xf32, #tpu.memory_space<hbm>>
    %dma_wait3A_86 = arith.constant 0 : i32
    %dma_wait3A_87 = tpu.memref_slice %arg4[%add3A_26, %dma_wait3A_86] : memref<106496x64xf32, #tpu.memory_space<hbm>> -> memref<832x64xf32, #tpu.memory_space<hbm>>
    %dma_wait3A_88 = arith.constant 0 : i32
    %dma_wait3A_89 = arith.constant 0 : i32
    %dma_wait3A_90 = tpu.memref_slice %arg6[%dma_wait3A_79, %dma_wait3A_88, %dma_wait3A_89] : memref<2x832x64xf32, #tpu.memory_space<vmem>> -> memref<1x832x64xf32, #tpu.memory_space<vmem>>
    %dma_wait3A_91 = tpu.memref_squeeze %dma_wait3A_90 : memref<1x832x64xf32, #tpu.memory_space<vmem>> -> memref<832x64xf32, #tpu.memory_space<vmem>>
    tpu.wait_dma2 semaphore(%arg8 : memref<!tpu.dma_semaphore, #tpu.memory_space<semaphore_mem>>) src(%dma_wait3A_91 : memref<832x64xf32, #tpu.memory_space<vmem>>) dst(%dma_wait3A_87 : memref<832x64xf32, #tpu.memory_space<hbm>>)
    %dma_start3A_92 = arith.constant 2 : i32
    %dma_start3A_93 = arith.constant 0 : i32
    %dma_start3A_94 = arith.constant 0 : i32
    %dma_start3A_95 = arith.constant 0 : i32
    %dma_start3A_96 = tpu.memref_slice %arg6[%dma_start3A_93, %dma_start3A_94, %dma_start3A_95] : memref<2x832x64xf32, #tpu.memory_space<vmem>> -> memref<1x832x64xf32, #tpu.memory_space<vmem>>
    %dma_start3A_97 = tpu.memref_squeeze %dma_start3A_96 : memref<1x832x64xf32, #tpu.memory_space<vmem>> -> memref<832x64xf32, #tpu.memory_space<vmem>>
    %dma_start3A_98 = arith.constant 0 : i32
    %dma_start3A_99 = tpu.memref_slice %arg5[%dma_start3A_92, %dma_start3A_98] : memref<4x832xi32, #tpu.memory_space<vmem>> -> memref<1x832xi32, #tpu.memory_space<vmem>>
    %dma_start3A_100 = tpu.memref_squeeze %dma_start3A_99 : memref<1x832xi32, #tpu.memory_space<vmem>> -> memref<832xi32, #tpu.memory_space<vmem>>
    %dma_start3A_101 = arith.constant 0 : i32
    %dma_start3A_102 = arith.constant 0 : i32
    %dma_start3A_103 = tpu.memref_slice %arg3[%dma_start3A_101, %dma_start3A_102] : memref<1000000x64xf32, #tpu.memory_space<hbm>> -> memref<1000000x64xf32, #tpu.memory_space<hbm>>
    tpu.enqueue_indirect_dma source(%dma_start3A_103 : memref<1000000x64xf32, #tpu.memory_space<hbm>>) target(%dma_start3A_97 : memref<832x64xf32, #tpu.memory_space<vmem>>) offsets(%dma_start3A_100 : memref<832xi32, #tpu.memory_space<vmem>>) semaphore(%arg7 : memref<!tpu.dma_semaphore, #tpu.memory_space<semaphore_mem>>)
    %dma_wait3A_104 = arith.constant 2 : i32
    %dma_wait3A_105 = arith.constant 0 : i32
    %dma_wait3A_106 = arith.constant 0 : i32
    %dma_wait3A_107 = arith.constant 0 : i32
    %dma_wait3A_108 = tpu.memref_slice %arg6[%dma_wait3A_105, %dma_wait3A_106, %dma_wait3A_107] : memref<2x832x64xf32, #tpu.memory_space<vmem>> -> memref<1x832x64xf32, #tpu.memory_space<vmem>>
    %dma_wait3A_109 = tpu.memref_squeeze %dma_wait3A_108 : memref<1x832x64xf32, #tpu.memory_space<vmem>> -> memref<832x64xf32, #tpu.memory_space<vmem>>
    %dma_wait3A_110 = arith.constant 0 : i32
    %dma_wait3A_111 = tpu.memref_slice %arg5[%dma_wait3A_104, %dma_wait3A_110] : memref<4x832xi32, #tpu.memory_space<vmem>> -> memref<1x832xi32, #tpu.memory_space<vmem>>
    %dma_wait3A_112 = tpu.memref_squeeze %dma_wait3A_111 : memref<1x832xi32, #tpu.memory_space<vmem>> -> memref<832xi32, #tpu.memory_space<vmem>>
    %dma_wait3A_113 = arith.constant 0 : i32
    %dma_wait3A_114 = arith.constant 0 : i32
    %dma_wait3A_115 = tpu.memref_slice %arg3[%dma_wait3A_113, %dma_wait3A_114] : memref<1000000x64xf32, #tpu.memory_space<hbm>> -> memref<1000000x64xf32, #tpu.memory_space<hbm>>
    tpu.wait_indirect_dma semaphore(%arg7 : memref<!tpu.dma_semaphore, #tpu.memory_space<semaphore_mem>>) src(%dma_wait3A_115 : memref<1000000x64xf32, #tpu.memory_space<hbm>>) dst(%dma_wait3A_109 : memref<832x64xf32, #tpu.memory_space<vmem>>)
    %add3A_116 = arith.constant 1664 : i32
    %add3A_117 = arith.addi %mul3A_2, %add3A_116 : i32
    %dma_start3A_118 = arith.constant 0 : i32
    %dma_start3A_119 = arith.constant 0 : i32
    %dma_start3A_120 = arith.constant 0 : i32
    %dma_start3A_121 = tpu.memref_slice %arg6[%dma_start3A_118, %dma_start3A_119, %dma_start3A_120] : memref<2x832x64xf32, #tpu.memory_space<vmem>> -> memref<1x832x64xf32, #tpu.memory_space<vmem>>
    %dma_start3A_122 = tpu.memref_squeeze %dma_start3A_121 : memref<1x832x64xf32, #tpu.memory_space<vmem>> -> memref<832x64xf32, #tpu.memory_space<vmem>>
    %dma_start3A_123 = arith.constant 0 : i32
    %dma_start3A_124 = tpu.memref_slice %arg4[%add3A_117, %dma_start3A_123] : memref<106496x64xf32, #tpu.memory_space<hbm>> -> memref<832x64xf32, #tpu.memory_space<hbm>>
    %dma_start3A_125 = arith.constant 0 : i32
    %dma_start3A_126 = tpu.memref_slice %arg4[%add3A_117, %dma_start3A_125] : memref<106496x64xf32, #tpu.memory_space<hbm>> -> memref<832x64xf32, #tpu.memory_space<hbm>>
    %dma_start3A_127 = arith.constant 0 : i32
    %dma_start3A_128 = arith.constant 0 : i32
    %dma_start3A_129 = tpu.memref_slice %arg6[%dma_start3A_118, %dma_start3A_127, %dma_start3A_128] : memref<2x832x64xf32, #tpu.memory_space<vmem>> -> memref<1x832x64xf32, #tpu.memory_space<vmem>>
    %dma_start3A_130 = tpu.memref_squeeze %dma_start3A_129 : memref<1x832x64xf32, #tpu.memory_space<vmem>> -> memref<832x64xf32, #tpu.memory_space<vmem>>
    tpu.enqueue_dma source(%dma_start3A_130 : memref<832x64xf32, #tpu.memory_space<vmem>>) target(%dma_start3A_126 : memref<832x64xf32, #tpu.memory_space<hbm>>) target_semaphore(%arg8 : memref<!tpu.dma_semaphore, #tpu.memory_space<semaphore_mem>>)
    %dma_wait3A_131 = arith.constant 1 : i32
    %dma_wait3A_132 = arith.constant 0 : i32
    %dma_wait3A_133 = arith.constant 0 : i32
    %dma_wait3A_134 = tpu.memref_slice %arg6[%dma_wait3A_131, %dma_wait3A_132, %dma_wait3A_133] : memref<2x832x64xf32, #tpu.memory_space<vmem>> -> memref<1x832x64xf32, #tpu.memory_space<vmem>>
    %dma_wait3A_135 = tpu.memref_squeeze %dma_wait3A_134 : memref<1x832x64xf32, #tpu.memory_space<vmem>> -> memref<832x64xf32, #tpu.memory_space<vmem>>
    %dma_wait3A_136 = arith.constant 0 : i32
    %dma_wait3A_137 = tpu.memref_slice %arg4[%add3A_65, %dma_wait3A_136] : memref<106496x64xf32, #tpu.memory_space<hbm>> -> memref<832x64xf32, #tpu.memory_space<hbm>>
    %dma_wait3A_138 = arith.constant 0 : i32
    %dma_wait3A_139 = tpu.memref_slice %arg4[%add3A_65, %dma_wait3A_138] : memref<106496x64xf32, #tpu.memory_space<hbm>> -> memref<832x64xf32, #tpu.memory_space<hbm>>
    %dma_wait3A_140 = arith.constant 0 : i32
    %dma_wait3A_141 = arith.constant 0 : i32
    %dma_wait3A_142 = tpu.memref_slice %arg6[%dma_wait3A_131, %dma_wait3A_140, %dma_wait3A_141] : memref<2x832x64xf32, #tpu.memory_space<vmem>> -> memref<1x832x64xf32, #tpu.memory_space<vmem>>
    %dma_wait3A_143 = tpu.memref_squeeze %dma_wait3A_142 : memref<1x832x64xf32, #tpu.memory_space<vmem>> -> memref<832x64xf32, #tpu.memory_space<vmem>>
    tpu.wait_dma2 semaphore(%arg8 : memref<!tpu.dma_semaphore, #tpu.memory_space<semaphore_mem>>) src(%dma_wait3A_143 : memref<832x64xf32, #tpu.memory_space<vmem>>) dst(%dma_wait3A_139 : memref<832x64xf32, #tpu.memory_space<hbm>>)
    %dma_start3A_144 = arith.constant 3 : i32
    %dma_start3A_145 = arith.constant 1 : i32
    %dma_start3A_146 = arith.constant 0 : i32
    %dma_start3A_147 = arith.constant 0 : i32
    %dma_start3A_148 = tpu.memref_slice %arg6[%dma_start3A_145, %dma_start3A_146, %dma_start3A_147] : memref<2x832x64xf32, #tpu.memory_space<vmem>> -> memref<1x832x64xf32, #tpu.memory_space<vmem>>
    %dma_start3A_149 = tpu.memref_squeeze %dma_start3A_148 : memref<1x832x64xf32, #tpu.memory_space<vmem>> -> memref<832x64xf32, #tpu.memory_space<vmem>>
    %dma_start3A_150 = arith.constant 0 : i32
    %dma_start3A_151 = tpu.memref_slice %arg5[%dma_start3A_144, %dma_start3A_150] : memref<4x832xi32, #tpu.memory_space<vmem>> -> memref<1x832xi32, #tpu.memory_space<vmem>>
    %dma_start3A_152 = tpu.memref_squeeze %dma_start3A_151 : memref<1x832xi32, #tpu.memory_space<vmem>> -> memref<832xi32, #tpu.memory_space<vmem>>
    %dma_start3A_153 = arith.constant 0 : i32
    %dma_start3A_154 = arith.constant 0 : i32
    %dma_start3A_155 = tpu.memref_slice %arg3[%dma_start3A_153, %dma_start3A_154] : memref<1000000x64xf32, #tpu.memory_space<hbm>> -> memref<1000000x64xf32, #tpu.memory_space<hbm>>
    tpu.enqueue_indirect_dma source(%dma_start3A_155 : memref<1000000x64xf32, #tpu.memory_space<hbm>>) target(%dma_start3A_149 : memref<832x64xf32, #tpu.memory_space<vmem>>) offsets(%dma_start3A_152 : memref<832xi32, #tpu.memory_space<vmem>>) semaphore(%arg7 : memref<!tpu.dma_semaphore, #tpu.memory_space<semaphore_mem>>)
    %dma_wait3A_156 = arith.constant 3 : i32
    %dma_wait3A_157 = arith.constant 1 : i32
    %dma_wait3A_158 = arith.constant 0 : i32
    %dma_wait3A_159 = arith.constant 0 : i32
    %dma_wait3A_160 = tpu.memref_slice %arg6[%dma_wait3A_157, %dma_wait3A_158, %dma_wait3A_159] : memref<2x832x64xf32, #tpu.memory_space<vmem>> -> memref<1x832x64xf32, #tpu.memory_space<vmem>>
    %dma_wait3A_161 = tpu.memref_squeeze %dma_wait3A_160 : memref<1x832x64xf32, #tpu.memory_space<vmem>> -> memref<832x64xf32, #tpu.memory_space<vmem>>
    %dma_wait3A_162 = arith.constant 0 : i32
    %dma_wait3A_163 = tpu.memref_slice %arg5[%dma_wait3A_156, %dma_wait3A_162] : memref<4x832xi32, #tpu.memory_space<vmem>> -> memref<1x832xi32, #tpu.memory_space<vmem>>
    %dma_wait3A_164 = tpu.memref_squeeze %dma_wait3A_163 : memref<1x832xi32, #tpu.memory_space<vmem>> -> memref<832xi32, #tpu.memory_space<vmem>>
    %dma_wait3A_165 = arith.constant 0 : i32
    %dma_wait3A_166 = arith.constant 0 : i32
    %dma_wait3A_167 = tpu.memref_slice %arg3[%dma_wait3A_165, %dma_wait3A_166] : memref<1000000x64xf32, #tpu.memory_space<hbm>> -> memref<1000000x64xf32, #tpu.memory_space<hbm>>
    tpu.wait_indirect_dma semaphore(%arg7 : memref<!tpu.dma_semaphore, #tpu.memory_space<semaphore_mem>>) src(%dma_wait3A_167 : memref<1000000x64xf32, #tpu.memory_space<hbm>>) dst(%dma_wait3A_161 : memref<832x64xf32, #tpu.memory_space<vmem>>)
    %add3A_168 = arith.constant 2496 : i32
    %add3A_169 = arith.addi %mul3A_2, %add3A_168 : i32
    %dma_start3A_170 = arith.constant 1 : i32
    %dma_start3A_171 = arith.constant 0 : i32
    %dma_start3A_172 = arith.constant 0 : i32
    %dma_start3A_173 = tpu.memref_slice %arg6[%dma_start3A_170, %dma_start3A_171, %dma_start3A_172] : memref<2x832x64xf32, #tpu.memory_space<vmem>> -> memref<1x832x64xf32, #tpu.memory_space<vmem>>
    %dma_start3A_174 = tpu.memref_squeeze %dma_start3A_173 : memref<1x832x64xf32, #tpu.memory_space<vmem>> -> memref<832x64xf32, #tpu.memory_space<vmem>>
    %dma_start3A_175 = arith.constant 0 : i32
    %dma_start3A_176 = tpu.memref_slice %arg4[%add3A_169, %dma_start3A_175] : memref<106496x64xf32, #tpu.memory_space<hbm>> -> memref<832x64xf32, #tpu.memory_space<hbm>>
    %dma_start3A_177 = arith.constant 0 : i32
    %dma_start3A_178 = tpu.memref_slice %arg4[%add3A_169, %dma_start3A_177] : memref<106496x64xf32, #tpu.memory_space<hbm>> -> memref<832x64xf32, #tpu.memory_space<hbm>>
    %dma_start3A_179 = arith.constant 0 : i32
    %dma_start3A_180 = arith.constant 0 : i32
    %dma_start3A_181 = tpu.memref_slice %arg6[%dma_start3A_170, %dma_start3A_179, %dma_start3A_180] : memref<2x832x64xf32, #tpu.memory_space<vmem>> -> memref<1x832x64xf32, #tpu.memory_space<vmem>>
    %dma_start3A_182 = tpu.memref_squeeze %dma_start3A_181 : memref<1x832x64xf32, #tpu.memory_space<vmem>> -> memref<832x64xf32, #tpu.memory_space<vmem>>
    tpu.enqueue_dma source(%dma_start3A_182 : memref<832x64xf32, #tpu.memory_space<vmem>>) target(%dma_start3A_178 : memref<832x64xf32, #tpu.memory_space<hbm>>) target_semaphore(%arg8 : memref<!tpu.dma_semaphore, #tpu.memory_space<semaphore_mem>>)
    %dma_wait3A_183 = arith.constant 0 : i32
    %dma_wait3A_184 = arith.constant 0 : i32
    %dma_wait3A_185 = arith.constant 0 : i32
    %dma_wait3A_186 = tpu.memref_slice %arg6[%dma_wait3A_183, %dma_wait3A_184, %dma_wait3A_185] : memref<2x832x64xf32, #tpu.memory_space<vmem>> -> memref<1x832x64xf32, #tpu.memory_space<vmem>>
    %dma_wait3A_187 = tpu.memref_squeeze %dma_wait3A_186 : memref<1x832x64xf32, #tpu.memory_space<vmem>> -> memref<832x64xf32, #tpu.memory_space<vmem>>
    %dma_wait3A_188 = arith.constant 0 : i32
    %dma_wait3A_189 = tpu.memref_slice %arg4[%add3A_117, %dma_wait3A_188] : memref<106496x64xf32, #tpu.memory_space<hbm>> -> memref<832x64xf32, #tpu.memory_space<hbm>>
    %dma_wait3A_190 = arith.constant 0 : i32
    %dma_wait3A_191 = tpu.memref_slice %arg4[%add3A_117, %dma_wait3A_190] : memref<106496x64xf32, #tpu.memory_space<hbm>> -> memref<832x64xf32, #tpu.memory_space<hbm>>
    %dma_wait3A_192 = arith.constant 0 : i32
    %dma_wait3A_193 = arith.constant 0 : i32
    %dma_wait3A_194 = tpu.memref_slice %arg6[%dma_wait3A_183, %dma_wait3A_192, %dma_wait3A_193] : memref<2x832x64xf32, #tpu.memory_space<vmem>> -> memref<1x832x64xf32, #tpu.memory_space<vmem>>
    %dma_wait3A_195 = tpu.memref_squeeze %dma_wait3A_194 : memref<1x832x64xf32, #tpu.memory_space<vmem>> -> memref<832x64xf32, #tpu.memory_space<vmem>>
    tpu.wait_dma2 semaphore(%arg8 : memref<!tpu.dma_semaphore, #tpu.memory_space<semaphore_mem>>) src(%dma_wait3A_195 : memref<832x64xf32, #tpu.memory_space<vmem>>) dst(%dma_wait3A_191 : memref<832x64xf32, #tpu.memory_space<hbm>>)
    %dma_wait3A_196 = arith.constant 1 : i32
    %dma_wait3A_197 = arith.constant 0 : i32
    %dma_wait3A_198 = arith.constant 0 : i32
    %dma_wait3A_199 = tpu.memref_slice %arg6[%dma_wait3A_196, %dma_wait3A_197, %dma_wait3A_198] : memref<2x832x64xf32, #tpu.memory_space<vmem>> -> memref<1x832x64xf32, #tpu.memory_space<vmem>>
    %dma_wait3A_200 = tpu.memref_squeeze %dma_wait3A_199 : memref<1x832x64xf32, #tpu.memory_space<vmem>> -> memref<832x64xf32, #tpu.memory_space<vmem>>
    %dma_wait3A_201 = arith.constant 0 : i32
    %dma_wait3A_202 = tpu.memref_slice %arg4[%add3A_169, %dma_wait3A_201] : memref<106496x64xf32, #tpu.memory_space<hbm>> -> memref<832x64xf32, #tpu.memory_space<hbm>>
    %dma_wait3A_203 = arith.constant 0 : i32
    %dma_wait3A_204 = tpu.memref_slice %arg4[%add3A_169, %dma_wait3A_203] : memref<106496x64xf32, #tpu.memory_space<hbm>> -> memref<832x64xf32, #tpu.memory_space<hbm>>
    %dma_wait3A_205 = arith.constant 0 : i32
    %dma_wait3A_206 = arith.constant 0 : i32
    %dma_wait3A_207 = tpu.memref_slice %arg6[%dma_wait3A_196, %dma_wait3A_205, %dma_wait3A_206] : memref<2x832x64xf32, #tpu.memory_space<vmem>> -> memref<1x832x64xf32, #tpu.memory_space<vmem>>
    %dma_wait3A_208 = tpu.memref_squeeze %dma_wait3A_207 : memref<1x832x64xf32, #tpu.memory_space<vmem>> -> memref<832x64xf32, #tpu.memory_space<vmem>>
    tpu.wait_dma2 semaphore(%arg8 : memref<!tpu.dma_semaphore, #tpu.memory_space<semaphore_mem>>) src(%dma_wait3A_208 : memref<832x64xf32, #tpu.memory_space<vmem>>) dst(%dma_wait3A_204 : memref<832x64xf32, #tpu.memory_space<hbm>>)
    return
  }
}

</mosaic_0001>

<sc_bundles>
// kernel: kernel.3.cloned.1.call-start
scs
__scs_entry_jumppad:
0x0: {  	(pc) =	sbr.rel $0x88, $3  }
0x1: {  	(tag) =	ssettag $0x0;
	lr =	simm.s32 $0x1  }
0x2: {  	[smem:$0x3F9F] =	sst lr;
	_ =	strace $0xD0000000  }
0x3: {  	_ = 	snop  }
0x4: {  	_ = 	snop  }
0x5: {  	_ = 	snop  }
0x6: {  	_ = 	snop  }
0x7: {  	_ = 	snop  }
__scs_overlays_trampoline_lowered:
0x8: {  	[smem:$0x3FAE] =	sst s0  }
0x9: {  	[smem:$0x3FAF] =	sst s1  }
0xa: {  	[smem:$0x3FB0] =	sst s2  }
0xb: {  	[smem:$0x3FB1] =	sst s3  }
0xc: {  	[smem:$0x3FB2] =	sst s4  }
0xd: {  	[smem:$0x3FB3] =	sst s5  }
0xe: {  	[smem:$0x3FB4] =	sst s6  }
0xf: {  	[smem:$0x3FB5] =	sst s7  }
0x10: {  	[smem:$0x3FB6] =	sst s8  }
0x11: {  	[smem:$0x3FB7] =	sst s9;
	s0 =	simm.s32 @!p0 $0x0  }
0x12: {  	s1 =	sld [smem:$0x3F9D];
	s0 =	simm.s32 @p0 $0x1  }
0x13: {  	[smem:$0x3FB8] =	sst s0;
	s0 =	simm.s32 @!p1 $0x0  }
0x14: {  	s2 =	sld [smem:$0x3F9C];
	s0 =	simm.s32 @p1 $0x1  }
0x15: {  	[smem:$0x3FB9] =	sst s0;
	s0 =	simm.s32 @!p2 $0x0  }
0x16: {  	s3 =	sld [smem:$0x3FDB];
	s0 =	simm.s32 @p2 $0x1  }
0x17: {  	s4 =	simm.s32 $0x1BF5;
	[smem:$0x3FBB] =	sst s0  }
0x18: {  	s0 =	sld [smem:$0x3F9E];
	_ =	swait.ge [sflag:s4], $0x0  }
0x19: {  	s7 =	sld [smem:$0x3F9F]  }
0x1a: {  	s8 =	sadd.s32 $0xFFFFE003, lr  }
0x1b: {  	s9 =	sadd.s32 $0xFFFFFEF7, lr;
	s5 =	simm.s32 $0xFFFFFFFF;
	p2 =	slt.u32 s8, $0xFFFFF086  }
0x1c: {  	p1 =	slt.u32 s9, $0xF7A;
	s5 =	simm.s32 @!p2 $0x0  }
0x1d: {  	s5 =	simm.s32 @p1 $0x1;
	p0 =	seq.s32 s7, s2  }
0x1e: {  	s7 =	smul.u32 @!p0 $0xF7A, s2;
	p2 =	seq.s32 @!p0 s5, $0x0  }
0x1f: {  	s9 =	smul.u32 $0xF7A, s1;
	s8 =	simm.s32 @!p0 $0x1BF5;
	p2 =	por !p2, p0  }
0x20: {  	[sflag:s8] =	ssyncset.s32 @!p0 $0xFFFFF086;
	s6 =	sadd.s32 @!p0 s3, s7;
	s7 =	simm.s32 @!p0 $0x108  }
0x21: {  	s3 =	sadd.s32 s3, s9;
	s6 =	sadd.s32 @!p0 $0x88, s6;
	s7 =	simm.s32 @p2 $0x1082  }
0x22: {  	[simem:s7], [sflag:s8] =	dma.local @!p0 [hbm:s6], $0xF7A  }
0x23: {  	s9 =	sor.u32 $0xD0000000, s2;
	s6 =	simm.s32 $0x108;
	_ =	swait.ge @!p0 [sflag:s8], $0x0  }
0x24: {  	s3 =	sadd.s32 $0x88, s3;
	s6 =	simm.s32 @!p1 $0x1082;
	[sflag:s4] =	ssyncset.s32 $0xFFFFF086  }
0x25: {  	[simem:s6], [sflag:s4] =	dma.local [hbm:s3], $0xF7A  }
0x26: {  	[smem:$0x3F9F] =	sst s1;
	(tag) =	ssettag s2;
	_ =	strace s9  }
0x27: {  	s1 =	sld [smem:$0x3FAF]  }
0x28: {  	s2 =	sld [smem:$0x3FB0]  }
0x29: {  	s4 =	sld [smem:$0x3FB2]  }
0x2a: {  	p0 =	seq.s32 s5, $0x0;
	s5 =	sld [smem:$0x3FB3]  }
0x2b: {  	s6 =	sld [smem:$0x3FB4]  }
0x2c: {  	s7 =	sld [smem:$0x3FB5]  }
0x2d: {  	s3 =	simm.s32 $0x108;
	s8 =	sld [smem:$0x3FB6]  }
0x2e: {  	s3 =	simm.s32 @!p0 $0x1082;
	s9 =	sld [smem:$0x3FB7]  }
0x2f: {  	lr =	sadd.s32 s0, s3;
	s0 =	sld [smem:$0x3FAE]  }
0x30: {  	s3 =	sld [smem:$0x3FB1]  }
0x31: {  	[smem:$0x3FBA] =	sst s10  }
0x32: {  	s10 =	sld [smem:$0x3FB8];
	_ =	sdelay $0x3  }
0x33: {  	p0 =	seq.s32 s10, $0x1;
	s10 =	sld [smem:$0x3FBA];
	_ =	sdelay $0x3  }
0x34: {  	[smem:$0x3FBA] =	sst s10  }
0x35: {  	s10 =	sld [smem:$0x3FB9];
	_ =	sdelay $0x3  }
0x36: {  	p1 =	seq.s32 s10, $0x1;
	s10 =	sld [smem:$0x3FBA];
	_ =	sdelay $0x3  }
0x37: {  	[smem:$0x3FBA] =	sst s10  }
0x38: {  	s10 =	sld [smem:$0x3FBB]  }
0x39: {  	_ = 	snop;
	(pc) =	sbr.ind lr, $3  }
0x3a: {  	_ = 	snop  }
0x3b: {  	_ = 	snop  }
0x3c: {  	p2 =	seq.s32 s10, $0x1;
	s10 =	sld [smem:$0x3FBA]  }
0x3d: {  	_ =	shalt  }
0x3e: {  	_ =	shalt  }
0x3f: {  	_ =	shalt  }
0x40: {  	_ =	shalt  }
0x41: {  	_ =	shalt  }
0x42: {  	_ =	shalt  }
0x43: {  	_ =	shalt  }
0x44: {  	_ =	shalt  }
0x45: {  	_ =	shalt  }
0x46: {  	_ =	shalt  }
0x47: {  	_ =	shalt  }
0x48: {  	_ =	shalt  }
0x49: {  	_ =	shalt  }
0x4a: {  	_ =	shalt  }
0x4b: {  	_ =	shalt  }
0x4c: {  	_ =	shalt  }
0x4d: {  	_ =	shalt  }
0x4e: {  	_ =	shalt  }
0x4f: {  	_ =	shalt  }
0x50: {  	_ =	shalt  }
0x51: {  	_ =	shalt  }
0x52: {  	_ =	shalt  }
0x53: {  	_ =	shalt  }
0x54: {  	_ =	shalt  }
0x55: {  	_ =	shalt  }
0x56: {  	_ =	shalt  }
0x57: {  	_ =	shalt  }
0x58: {  	_ =	shalt  }
0x59: {  	_ =	shalt  }
0x5a: {  	_ =	shalt  }
0x5b: {  	_ =	shalt  }
0x5c: {  	_ =	shalt  }
0x5d: {  	_ =	shalt  }
0x5e: {  	_ =	shalt  }
0x5f: {  	_ =	shalt  }
0x60: {  	_ =	shalt  }
0x61: {  	_ =	shalt  }
0x62: {  	_ =	shalt  }
0x63: {  	_ =	shalt  }
0x64: {  	_ =	shalt  }
0x65: {  	_ =	shalt  }
0x66: {  	_ =	shalt  }
0x67: {  	_ =	shalt  }
0x68: {  	_ =	shalt  }
0x69: {  	_ =	shalt  }
0x6a: {  	_ =	shalt  }
0x6b: {  	_ =	shalt  }
0x6c: {  	_ =	shalt  }
0x6d: {  	_ =	shalt  }
0x6e: {  	_ =	shalt  }
0x6f: {  	_ =	shalt  }
0x70: {  	_ =	shalt  }
0x71: {  	_ =	shalt  }
0x72: {  	_ =	shalt  }
0x73: {  	_ =	shalt  }
0x74: {  	_ =	shalt  }
0x75: {  	_ =	shalt  }
0x76: {  	_ =	shalt  }
0x77: {  	_ =	shalt  }
0x78: {  	_ =	shalt  }
0x79: {  	_ =	shalt  }
0x7a: {  	_ =	shalt  }
0x7b: {  	_ =	shalt  }
0x7c: {  	_ =	shalt  }
0x7d: {  	_ =	shalt  }
0x7e: {  	_ =	shalt  }
0x7f: {  	_ =	shalt  }
0x80: {  	_ =	shalt  }
0x81: {  	_ =	shalt  }
0x82: {  	_ =	shalt  }
0x83: {  	_ =	shalt  }
0x84: {  	_ =	shalt  }
0x85: {  	_ =	shalt  }
0x86: {  	_ =	shalt  }
0x87: {  	_ =	shalt  }
.Lfunc_end0:
.L_simem_size_0:
called_computation_lowered:
.L_overlay_start_0:
0x88: {  	s2 =	sld [smem:$0x3FD9]  }
0x89: {  	s3 =	sld [smem:$0x3FFE];
	_ =	sdelay $0x1  }
0x8a: {  	s1 =	srdreg.scid  }
0x8b: {  	s0 =	sand.u32 $0x1, s1  }
0x8c: {  	s17 =	sshll.u32 s0, $0xA;
	s2 =	sadd.s32 s3, s2  }
0x8d: {  	s2 =	sadd.s32 s2, s17  }
0x8e: {  	[smem:$0x3FC6] =	sst s2  }
0x8f: {  	_ = 	snop  }
0x90: {  	s2 =	sld [smem:$0x3FD0];
	(tm) =	ssettm $0x1  }
0x91: {  	s18 =	sld [smem:$0x3FFB];
	_ =	sdelay $0x3  }
0x92: {  	_ =	strace s18  }
0x93: {  	s3 =	sld [smem:$0x3FFC];
	_ =	sdelay $0x3  }
0x94: {  	_ =	strace s3  }
0x95: {  	s3 =	sld [smem:$0x3FFD];
	_ =	sdelay $0x3  }
0x96: {  	_ =	strace s3  }
0x97: {  	_ =	strace $0x8FFFFFFF  }
0x98: {  	s19 =	sld [smem:$0x3FDB];
	_ =	sdelay $0x1  }
0x99: {  	s4 =	simm.s32 $_scs_section_size  }
0x9a: {  	s5 =	simm.s32 $_size__tile_overlayer_lowered;
	s6 =	simm.s32 $_tile_overlayer_lowered  }
0x9b: {  	s22 =	simm.s32 $0x1BFF;
	s21 =	sshll.u32 s6, $0x1;
	s3 =	sadd.s32 s4, s19  }
0x9c: {  	s7 =	simm.s32 $0x0;
	s20 =	sshll.u32 s5, $0x1;
	s5 =	sadd.s32 s21, s3  }
0x9d: {  	[timem:s7], [sflag:s22] =	dma.local [hbm:s5], s20  }
0x9e: {  	_ =	swait.ge [sflag:s22], s20  }
0x9f: {  	s4 =	ssub.s32 $0x0, s20;
	[sflag:s22] =	ssyncset.done $0x0  }
0xa0: {  	[sflag:s22] =	ssyncadd.s32 s4;
	_ =	sdelay $0x1  }
0xa1: {  	s23 =	simm.s32 $0x1B8B  }
0xa2: {  	_ =	swait.ge [sflag:s23], $0x1  }
0xa3: {  	[sflag:s23] =	ssyncset.done $0x0  }
0xa4: {  	s25 =	simm.s32 $0x1B8E;
	s24 =	sld [smem:$0x3FFE];
	[sflag:s23] =	ssyncadd.s32 $0xFFFFFFFF  }
0xa5: {  	s26 =	simm.s32 $execute0_lowered;
	[smem:$0x3FD2] =	sst s25  }
0xa6: {  	s5 =	sshll.u32 s26, $0x1;
	_ =	strace $0x80000046;
	[dreg:$0x1] =	wrdreg $0xFFFFFFFF  }
0xa7: {  	s28 =	simm.s32 $_size_execute0_lowered;
	s3 =	sadd.s32 s3, s5;
	[dreg:$0x0] =	wrdreg $0x0  }
0xa8: {  	s5 =	sshll.u32 s28, $0x1;
	[dreg:$0x2] =	wrdreg s3  }
0xa9: {  	[dreg:$0x3] =	wrdreg s5  }
0xaa: {  	[dreg:$0x4] =	wrdreg $0xC0  }
0xab: {  	_ =	task [dreg:s7], $0x5FFFF  }
0xac: {  	[dreg:$0x1] =	wrdreg $0xFFFFFFFF  }
0xad: {  	[dreg:$0x0] =	wrdreg $0x60  }
0xae: {  	[dreg:$0x2] =	wrdreg s24  }
0xaf: {  	[dreg:$0x3] =	wrdreg s2  }
0xb0: {  	[dreg:$0x4] =	wrdreg $0x9  }
0xb1: {  	_ =	task.clear_ibuf [dreg:s7], $0x5FFFF;
	_ =	strace $0x90000046  }
0xb2: {  	s29 =	simm.s32 $0x9;
	_ =	strace $0x80000048  }
0xb3: {  	_ =	swait.ge [sflag:s29], $0x1  }
0xb4: {  	[sflag:s29] =	ssyncadd.s32 $0xFFFFFFFF  }
0xb5: {  	_ =	strace $0x90000048  }
0xb6: {  	_ =	sfence  }
0xb7: {  	s30 =	sld [smem:$0x0];
	_ =	sdelay $0x2  }
0xb8: {  	s31 =	sshll.u32 s1, $0xD;
	s1 =	sshrl.u32 s1, $0x2  }
0xb9: {  	s3 =	sand.u32 $0x4000, s31;
	s1 =	sadd.s32 s1, s30  }
0xba: {  	s0 =	sor.u32 s3, s0;
	s1 =	sshll.u32 s1, $0x11  }
0xbb: {  	s0 =	sor.u32 s1, s0  }
0xbc: {  	s0 =	sadd.s32 $0x8F2B, s0  }
0xbd: {  	[sflag:s0] =	ssyncadd.remote.s32 $0x1  }
0xbe: {  	_ =	sfence.sel $0xFFFF  }
0xbf: {  	[dreg:$0x0] =	wrdreg $0xFFFFFFFF;
	(pc) =	sbr.abs _section_cstart, $3  }
0xc0: {  	[dreg:$0x1] =	wrdreg $0xFFFFFFFF  }
0xc1: {  	_ =	task.clear_ibuf [dreg:s7], $0x2FFFF;
	_ =	strace $0x9FFFFFFF  }
0xc2: {  	(tm) =	ssettm $0x7FFFFFFF  }
0xc3: {  	_ =	shalt  }
tec
execute0_lowered:
.L_overlay_start_1:
0x0: {  	(tag) =	ssettag $0x1  }
0x1: {  	s1 =	srdreg.scid;
	s0 =	stileid.u32  }
0x2: {  	s16 =	sand.u32 $0x1, s1;
	s30 =	sshll.u32 s0, $0x1  }
0x3: {  	s10 =	sor.u32 s16, s30  }
0x4: {  	s5 =	rddreg [dreg:$0x0];
	s3 =	smul.u32 $0x1A0, s10  }
0x5: {  	s11 =	rddreg [dreg:$0x1];
	s2 =	simm.s32 $0x0  }
0x6: {  	s4 =	simm.s32 $0x3;
	[smem:$0x7FF] =	sst s2;
	s3 =	sadd.s32 s3, s5  }
0x7: {  	s1 =	rddreg [dreg:$0x2];
	_ =	strace $0x80000047;
	s3 =	sadd.s32 $0x600, s3  }
0x8: {  	[tilespmem:s2], [sflag:$0x3] =	stream.linear.gather [hbm4b:s3+s2], $0xD00, $0x38;
	[tilespmem:$0x1AD00] =	vst v63  }
0x9: {  	_ =	swait.ge [sflag:s4], $0xD00  }
0xa: {  	s6 =	simm.s32 $0x340;
	s7 =	simm.s32 $0xD00;
	[sflag:s4] =	ssyncset.done $0x0  }
0xb: {  	s8 =	simm.s32 $0x1;
	s5 =	sadd.s32 $0xF42A00, s5;
	[sflag:s4] =	ssyncadd.s32 $0xFFFFF300  }
0xc: {  	[tilespmem:s7], [sflag:$0x1] =	stream.indirect.gather [hbm4b:s5+s6], $0x40, s2, s6, $0xb8;
	[tilespmem:$0x1AD00] =	vst v63  }
0xd: {  	s9 =	smul.u32 $0x6800, s10;
	_ =	swait.ge [sflag:s8], $0xD000  }
0xe: {  	[sflag:s8] =	ssyncset.done $0x0  }
0xf: {  	s9 =	sadd.s32 s11, s9;
	[sflag:s8] =	ssyncadd.s32 $0xFFFF3000  }
0x10: {  	[hbm4b:s9+s2] =	stream.linear.scatter [tilespmem:s7], [sflag:$0x2], $0xD000, $0x38;
	[tilespmem:$0x1AD00] =	vst v63  }
0x11: {  	s12 =	smul.u32 $0x34000, s10;
	s10 =	simm.s32 $0xDD00  }
0x12: {  	[tilespmem:s10], [sflag:$0x1] =	stream.indirect.gather [hbm4b:s5+s6], $0x40, s6, s6, $0xb8;
	[tilespmem:$0x1AD00] =	vst v63  }
0x13: {  	s12 =	sshrl.u32 s12, $0x3;
	_ =	swait.ge [sflag:s8], $0xD000  }
0x14: {  	s17 =	sadd.s32 s11, s12;
	[sflag:s8] =	ssyncset.done $0x0  }
0x15: {  	s11 =	simm.s32 $0x2;
	s12 =	sadd.s32 $0x1A00, s17;
	[sflag:s8] =	ssyncadd.s32 $0xFFFF3000  }
0x16: {  	[hbm4b:s12+s2] =	stream.linear.scatter [tilespmem:s10], [sflag:$0x2], $0xD000, $0x38;
	[tilespmem:$0x1AD00] =	vst v63  }
0x17: {  	_ =	swait.ge [sflag:s11], $0xD000  }
0x18: {  	[sflag:s11] =	ssyncset.done $0x0  }
0x19: {  	s13 =	simm.s32 $0x680;
	[sflag:s11] =	ssyncadd.s32 $0xFFFF3000  }
0x1a: {  	[tilespmem:s7], [sflag:$0x1] =	stream.indirect.gather [hbm4b:s5+s6], $0x40, s13, s6, $0xb8;
	[tilespmem:$0x1AD00] =	vst v63  }
0x1b: {  	_ =	swait.ge [sflag:s8], $0xD000  }
0x1c: {  	[sflag:s8] =	ssyncset.done $0x0  }
0x1d: {  	s14 =	sadd.s32 $0x3400, s17;
	[sflag:s8] =	ssyncadd.s32 $0xFFFF3000  }
0x1e: {  	[hbm4b:s14+s2] =	stream.linear.scatter [tilespmem:s7], [sflag:$0x2], $0xD000, $0x38;
	[tilespmem:$0x1AD00] =	vst v63  }
0x1f: {  	_ =	swait.ge [sflag:s11], $0xD000  }
0x20: {  	s18 =	ssub.s32 $0x2, s16;
	[sflag:s11] =	ssyncset.done $0x0  }
0x21: {  	s15 =	simm.s32 $0x9C0;
	s31 =	sshrl.u32 s18, $0x1;
	[sflag:s11] =	ssyncadd.s32 $0xFFFF3000  }
0x22: {  	[tilespmem:s10], [sflag:$0x1] =	stream.indirect.gather [hbm4b:s5+s6], $0x40, s15, s6, $0xb8;
	[tilespmem:$0x1AD00] =	vst v63  }
0x23: {  	s16 =	sadd.s32 $0x4E00, s17;
	s17 =	ssub.s32 s18, s31;
	_ =	swait.ge [sflag:s8], $0xD000  }
0x24: {  	s17 =	smax.u32 s17, $0x1;
	[sflag:s8] =	ssyncset.done $0x0  }
0x25: {  	p0 =	sne.s32 s17, $0x1;
	[sflag:s8] =	ssyncadd.s32 $0xFFFF3000  }
0x26: {  	[hbm4b:s16+s2] =	stream.linear.scatter [tilespmem:s10], [sflag:$0x2], $0xD000, $0x38;
	[tilespmem:$0x1AD00] =	vst v63  }
.Ltmp0:
0x27: {  	_ =	swait.ge [sflag:s11], $0xD000;
	(pc) =	sbr.rel @!p0 .LBB2_2-.Ltmp0, $4  }
0x28: {  	[sflag:s11] =	ssyncset.done $0x0  }
0x29: {  	[sflag:s11] =	ssyncadd.s32 $0xFFFF3000  }
0x2a: {  	_ =	swait.ge [sflag:s11], $0xD000  }
0x2b: {  	s17 =	sadd.s32 $0xFFFFFFFF, s17;
	[sflag:s11] =	ssyncset.done $0x0  }
.LBB2_1:
0x2c: {  	p0 =	sne.s32 s17, $0x1;
	s17 =	sadd.s32 $0xFFFFFFFF, s17;
	[sflag:s11] =	ssyncadd.s32 $0xFFFF3000  }
0x2d: {  	[tilespmem:s2], [sflag:$0x3] =	stream.linear.gather [hbm4b:s3+s2], $0xD00, $0x38;
	[tilespmem:$0x1AD00] =	vst v63  }
0x2e: {  	_ =	swait.ge [sflag:s4], $0xD00  }
0x2f: {  	[sflag:s4] =	ssyncset.done $0x0  }
0x30: {  	[sflag:s4] =	ssyncadd.s32 $0xFFFFF300  }
0x31: {  	[tilespmem:s7], [sflag:$0x1] =	stream.indirect.gather [hbm4b:s5+s6], $0x40, s2, s6, $0xb8;
	[tilespmem:$0x1AD00] =	vst v63  }
0x32: {  	_ =	swait.ge [sflag:s8], $0xD000  }
0x33: {  	[sflag:s8] =	ssyncset.done $0x0  }
0x34: {  	[sflag:s8] =	ssyncadd.s32 $0xFFFF3000  }
0x35: {  	[hbm4b:s9+s2] =	stream.linear.scatter [tilespmem:s7], [sflag:$0x2], $0xD000, $0x38;
	[tilespmem:$0x1AD00] =	vst v63  }
0x36: {  	_ = 	snop  }
0x37: {  	[tilespmem:s10], [sflag:$0x1] =	stream.indirect.gather [hbm4b:s5+s6], $0x40, s6, s6, $0xb8;
	[tilespmem:$0x1AD00] =	vst v63  }
0x38: {  	_ =	swait.ge [sflag:s8], $0xD000  }
0x39: {  	[sflag:s8] =	ssyncset.done $0x0  }
0x3a: {  	[sflag:s8] =	ssyncadd.s32 $0xFFFF3000  }
0x3b: {  	[hbm4b:s12+s2] =	stream.linear.scatter [tilespmem:s10], [sflag:$0x2], $0xD000, $0x38;
	[tilespmem:$0x1AD00] =	vst v63  }
0x3c: {  	_ =	swait.ge [sflag:s11], $0xD000  }
0x3d: {  	[sflag:s11] =	ssyncset.done $0x0  }
0x3e: {  	[sflag:s11] =	ssyncadd.s32 $0xFFFF3000  }
0x3f: {  	[tilespmem:s7], [sflag:$0x1] =	stream.indirect.gather [hbm4b:s5+s6], $0x40, s13, s6, $0xb8;
	[tilespmem:$0x1AD00] =	vst v63  }
0x40: {  	_ =	swait.ge [sflag:s8], $0xD000  }
0x41: {  	[sflag:s8] =	ssyncset.done $0x0  }
0x42: {  	[sflag:s8] =	ssyncadd.s32 $0xFFFF3000  }
0x43: {  	[hbm4b:s14+s2] =	stream.linear.scatter [tilespmem:s7], [sflag:$0x2], $0xD000, $0x38;
	[tilespmem:$0x1AD00] =	vst v63  }
0x44: {  	_ =	swait.ge [sflag:s11], $0xD000  }
0x45: {  	[sflag:s11] =	ssyncset.done $0x0  }
0x46: {  	[sflag:s11] =	ssyncadd.s32 $0xFFFF3000  }
0x47: {  	[tilespmem:s10], [sflag:$0x1] =	stream.indirect.gather [hbm4b:s5+s6], $0x40, s15, s6, $0xb8;
	[tilespmem:$0x1AD00] =	vst v63  }
0x48: {  	_ =	swait.ge [sflag:s8], $0xD000  }
0x49: {  	[sflag:s8] =	ssyncset.done $0x0  }
0x4a: {  	[sflag:s8] =	ssyncadd.s32 $0xFFFF3000  }
0x4b: {  	[hbm4b:s16+s2] =	stream.linear.scatter [tilespmem:s10], [sflag:$0x2], $0xD000, $0x38;
	[tilespmem:$0x1AD00] =	vst v63  }
.Ltmp1:
0x4c: {  	_ =	swait.ge [sflag:s11], $0xD000;
	(pc) =	sbr.rel @p0 .LBB2_1-.Ltmp1, $4  }
0x4d: {  	[sflag:s11] =	ssyncset.done $0x0  }
0x4e: {  	[sflag:s11] =	ssyncadd.s32 $0xFFFF3000  }
0x4f: {  	_ =	swait.ge [sflag:s11], $0xD000  }
0x50: {  	[sflag:s11] =	ssyncset.done $0x0  }
.LBB2_2:
0x51: {  	[sflag:s11] =	ssyncadd.s32 $0xFFFF3000  }
0x52: {  	_ =	sfence.sel $0x180000  }
0x53: {  	[bflag:$0x0] =	sbarrier.arrive $0xFFFF  }
0x54: {  	p0 =	sne.s32 s0, $0x0;
	_ =	strace $0x90000047  }
0x55: {  	s0 =	sadd.s32 @!p0 $0x100000, s1;
	[bflag:$0x2] =	sbarrier.arrive $0xFFFF  }
0x56: {  	[sflag:s0] =	ssyncadd.tile.s32 @!p0 $0x1;
	_ =	shalt  }
.Lfunc_end2:
_tile_overlayer_lowered:
.L_overlay_start_2:
0x57: {  	(tag) =	ssettag $0x2  }
0x58: {  	s0 =	rddreg [dreg:$0x0];
	s2 =	stileid.u32  }
0x59: {  	s1 =	rddreg [dreg:$0x1];
	p0 =	sne.s32 s2, $0x0  }
0x5a: {  	s3 =	rddreg [dreg:$0x2];
	[bflag:$0x3] =	sbarrier.arrive $0xFFFF;
	s2 =	simm.s32 @!p0 $0x1C03  }
0x5b: {  	[timem:s3], [sflag:s2] =	dma.local @!p0 [hbm:s0], s1  }
0x5c: {  	s0 =	simm.s32 @!p0 $0x3  }
0x5d: {  	_ =	swait.ge @!p0 [sflag:s0], s1  }
0x5e: {  	s1 =	ssub.s32 @!p0 $0x0, s1;
	[sflag:s0] =	ssyncset.done @!p0 $0x0  }
0x5f: {  	[sflag:s0] =	ssyncadd.s32 @!p0 s1  }
0x60: {  	[bflag:$0x3] =	sbarrier.arrive $0xFFFF  }
0x61: {  	_ =	shalt  }

</sc_bundles>
